<compile_context>
chip_gen: v7x
topology: tpu7x:2x2x1
jax: 0.10.2.dev20260603
libtpu: 0.0.44.dev20260713+nightly
codegen_flags: <defaults>
</compile_context>

<pallas_src>
import functools

import jax
import jax.numpy as jnp
from jax import lax
from jax.experimental import pallas as pl
from jax.experimental.pallas import tpu as pltpu
from jax.experimental.pallas import tpu_sc as plsc

EMB_DIM = 64
BATCH = 16384
SEQ = 50
B_ROWS = BATCH * SEQ
PAIRS = B_ROWS // 2
NC = 2
NS = 16
NW = NC * NS
PPW = PAIRS // NW
CH = 128
CPW = PPW // CH


def _build_pair_table(w_ref, pt_ref):
    i = lax.broadcasted_iota(jnp.int32, (64, 1), 0)
    i0 = i >> 3
    i1 = i & 7
    left = jnp.zeros((64, EMB_DIM), jnp.float32)
    right = jnp.zeros((64, EMB_DIM), jnp.float32)
    for v in range(7):
        row = w_ref[pl.ds(v, 1), :]
        left = left + jnp.where(i0 == v, 1.0, 0.0) * row
        right = right + jnp.where(i1 == v, 1.0, 0.0) * row
    pt_ref[:, 0:EMB_DIM] = left
    pt_ref[:, EMB_DIM:2 * EMB_DIM] = right


_pair_table = pl.pallas_call(
    _build_pair_table,
    out_shape=jax.ShapeDtypeStruct((64, 2 * EMB_DIM), jnp.float32),
)


def _pair_index_kernel(x_ref, o_ref):
    xf = x_ref[...].astype(jnp.float32)
    even = lax.broadcasted_iota(jnp.int32, (1, 128), 1) % 2 == 0
    y = xf * jnp.where(even, 8.0, 1.0)
    s = (lax.broadcasted_iota(jnp.int32, (128, 64), 0) >> 1
         == lax.broadcasted_iota(jnp.int32, (128, 64), 1)).astype(jnp.float32)
    p = lax.dot_general(y, s, (((1,), (0,)), ((), ())),
                        preferred_element_type=jnp.float32)
    o_ref[...] = p.astype(jnp.int32)


_pair_index = pl.pallas_call(
    _pair_index_kernel,
    out_shape=jax.ShapeDtypeStruct((B_ROWS // 128, 64), jnp.int32),
)

_mesh = plsc.VectorSubcoreMesh(core_axis_name="c", subcore_axis_name="s")


@functools.partial(
    pl.kernel,
    out_type=jax.ShapeDtypeStruct((PAIRS, 2 * EMB_DIM), jnp.float32),
    mesh=_mesh,
    scratch_types=[
        pltpu.VMEM((CPW, CH), jnp.int32),
        pltpu.VMEM((CH, 2 * EMB_DIM), jnp.float32),
        pltpu.VMEM((CH, 2 * EMB_DIM), jnp.float32),
        pltpu.SemaphoreType.DMA,
        pltpu.SemaphoreType.DMA,
        pltpu.SemaphoreType.DMA,
        pltpu.SemaphoreType.DMA,
    ],
)
def _emb_gather(pidx_hbm, pt_hbm, out_hbm, pidxv, rows_a, rows_b,
                sg_a, sg_b, sw_a, sw_b):
    wid = lax.axis_index("s") * NC + lax.axis_index("c")
    pltpu.sync_copy(pidx_hbm.at[wid], pidxv)

    def gather(c, buf, sem):
        pltpu.async_copy(pt_hbm.at[pidxv.at[c]], buf, sem)

    def write(c, buf, sem):
        base = pl.multiple_of(wid * PPW + c * CH, CH)
        pltpu.async_copy(buf, out_hbm.at[pl.ds(base, CH)], sem)

    def drain(buf, sem):
        pltpu.make_async_copy(buf, out_hbm.at[pl.ds(0, CH)], sem).wait()

    gather(0, rows_a, sg_a)

    def body(i, carry):
        e = 2 * i
        o = e + 1

        @pl.when(i > 0)
        def _():
            drain(rows_b, sw_b)
        gather(o, rows_b, sg_b)
        drain(rows_a, sg_a)
        write(e, rows_a, sw_a)
        drain(rows_a, sw_a)
        @pl.when(i + 1 < CPW // 2)
        def _():
            gather(e + 2, rows_a, sg_a)
        drain(rows_b, sg_b)
        write(o, rows_b, sw_b)
        return carry

    lax.fori_loop(0, CPW // 2, body, 0)
    drain(rows_b, sw_b)


def kernel(x, synth_emb_weight):
    pt = _pair_table(synth_emb_weight)
    pidx = _pair_index(x.reshape(B_ROWS // 128, 128).astype(jnp.int32))
    out = _emb_gather(pidx.reshape(NW, CPW, CH), pt)
    return out.reshape(BATCH, SEQ * EMB_DIM)

# --- scband reference (transcript-rebuilt; emitter-appended) ---
"""Pipeline reference for scband-synth-flow-encoder-27642409517730 (READ-ONLY COPY).

The authoritative reference and input builder live on the scoring server;
editing this copy changes nothing except your own understanding.
"""

import jax, jax.numpy as jnp
import numpy as np

EMB_DIM = 64
VOCAB = 7  # full_synthesis_feature_dims[0] = len([0,1,2,3,4,5,6])
BATCH = 16384
SEQ = 50

def setup_inputs(seed: int = 0) -> dict:
    key = jax.random.key(seed)
    k_x, k_w = jax.random.split(key)
    x = jax.random.randint(k_x, (BATCH, SEQ), 0, VOCAB, dtype=jnp.int64 if jax.config.jax_enable_x64 else jnp.int32)
    # Xavier uniform init for embedding weight [VOCAB, EMB_DIM]
    bound = float(np.sqrt(6.0 / (VOCAB + EMB_DIM)))
    synth_emb_weight = jax.random.uniform(k_w, (VOCAB, EMB_DIM), minval=-bound, maxval=bound, dtype=jnp.float32)
    return {"x": x, "synth_emb_weight": synth_emb_weight}

def reference(x, synth_emb_weight):
    # Faithful translation: embed column 0, then concat embeddings of each
    # subsequent column along feature dim.
    x_embedding = jnp.take(synth_emb_weight, x[:, 0], axis=0)
    for i in range(1, x.shape[1]):
        x_embedding = jnp.concatenate(
            (x_embedding, jnp.take(synth_emb_weight, x[:, i], axis=0)), axis=1)
    return x_embedding

if __name__ == "__main__":
    import jax
    _d = setup_inputs()
    print(jax.jit(kernel)(*tuple(_d.values())))

</pallas_src>

<mosaic_0001>
#map = affine_map<(d0, d1) -> (0, 0, 0)>
#map1 = affine_map<(d0, d1) -> (0, 0)>
module attributes {stable_mosaic.version = 14 : i64} {
  func.func @_emb_gather(%arg0: i32, %arg1: i32, %arg2: memref<32x100x128xi32, #tpu.memory_space<hbm>>, %arg3: memref<64x128xf32, #tpu.memory_space<hbm>>, %arg4: memref<409600x128xf32, #tpu.memory_space<hbm>>, %arg5: memref<100x128xi32, #tpu.memory_space<vmem>>, %arg6: memref<128x128xf32, #tpu.memory_space<vmem>>, %arg7: memref<128x128xf32, #tpu.memory_space<vmem>>, %arg8: memref<!tpu.dma_semaphore, #tpu.memory_space<semaphore_mem>>, %arg9: memref<!tpu.dma_semaphore, #tpu.memory_space<semaphore_mem>>, %arg10: memref<!tpu.dma_semaphore, #tpu.memory_space<semaphore_mem>>, %arg11: memref<!tpu.dma_semaphore, #tpu.memory_space<semaphore_mem>>) attributes {dimension_semantics = [#tpu.dimension_semantics<core_parallel>, #tpu.dimension_semantics<subcore_parallel>], iteration_bounds = array<i64: 2, 16>, scalar_prefetch = 0 : i64, scratch_operands = 7 : i64, tpu.core_type = #tpu.core_type<sc_vector_subcore>, window_params = [{transform_indices = #map}, {transform_indices = #map1}, {transform_indices = #map1}]} {
    %mul3A = arith.constant 2 : i32
    %mul3A_0 = arith.muli %arg1, %mul3A : i32
    %add3A = arith.addi %mul3A_0, %arg0 : i32
    "tpu.region"() ({
      %run_scoped3A = tpu.sem_alloc : memref<!tpu.dma_semaphore, #tpu.memory_space<semaphore_mem>>
      %dma_start3A_17 = arith.constant 0 : i32
      %dma_start3A_18 = arith.constant 0 : i32
      %dma_start3A_19 = tpu.memref_slice %arg2[%add3A, %dma_start3A_17, %dma_start3A_18] : memref<32x100x128xi32, #tpu.memory_space<hbm>> -> memref<1x100x128xi32, #tpu.memory_space<hbm>>
      %dma_start3A_20 = tpu.memref_squeeze %dma_start3A_19 : memref<1x100x128xi32, #tpu.memory_space<hbm>> -> memref<100x128xi32, #tpu.memory_space<hbm>>
      %dma_start3A_21 = arith.constant 0 : i32
      %dma_start3A_22 = arith.constant 0 : i32
      %dma_start3A_23 = tpu.memref_slice %arg2[%add3A, %dma_start3A_21, %dma_start3A_22] : memref<32x100x128xi32, #tpu.memory_space<hbm>> -> memref<1x100x128xi32, #tpu.memory_space<hbm>>
      %dma_start3A_24 = tpu.memref_squeeze %dma_start3A_23 : memref<1x100x128xi32, #tpu.memory_space<hbm>> -> memref<100x128xi32, #tpu.memory_space<hbm>>
      tpu.enqueue_dma source(%dma_start3A_24 : memref<100x128xi32, #tpu.memory_space<hbm>>) target(%arg5 : memref<100x128xi32, #tpu.memory_space<vmem>>) target_semaphore(%run_scoped3A : memref<!tpu.dma_semaphore, #tpu.memory_space<semaphore_mem>>)
      %dma_wait3A_25 = arith.constant 0 : i32
      %dma_wait3A_26 = arith.constant 0 : i32
      %dma_wait3A_27 = tpu.memref_slice %arg2[%add3A, %dma_wait3A_25, %dma_wait3A_26] : memref<32x100x128xi32, #tpu.memory_space<hbm>> -> memref<1x100x128xi32, #tpu.memory_space<hbm>>
      %dma_wait3A_28 = tpu.memref_squeeze %dma_wait3A_27 : memref<1x100x128xi32, #tpu.memory_space<hbm>> -> memref<100x128xi32, #tpu.memory_space<hbm>>
      %dma_wait3A_29 = arith.constant 0 : i32
      %dma_wait3A_30 = arith.constant 0 : i32
      %dma_wait3A_31 = tpu.memref_slice %arg2[%add3A, %dma_wait3A_29, %dma_wait3A_30] : memref<32x100x128xi32, #tpu.memory_space<hbm>> -> memref<1x100x128xi32, #tpu.memory_space<hbm>>
      %dma_wait3A_32 = tpu.memref_squeeze %dma_wait3A_31 : memref<1x100x128xi32, #tpu.memory_space<hbm>> -> memref<100x128xi32, #tpu.memory_space<hbm>>
      tpu.wait_dma2 semaphore(%run_scoped3A : memref<!tpu.dma_semaphore, #tpu.memory_space<semaphore_mem>>) src(%dma_wait3A_32 : memref<100x128xi32, #tpu.memory_space<hbm>>) dst(%arg5 : memref<100x128xi32, #tpu.memory_space<vmem>>)
      tpu.yield
    }) : () -> ()
    %dma_start3A = arith.constant 0 : i32
    %dma_start3A_1 = arith.constant 0 : i32
    %dma_start3A_2 = tpu.memref_slice %arg5[%dma_start3A, %dma_start3A_1] : memref<100x128xi32, #tpu.memory_space<vmem>> -> memref<1x128xi32, #tpu.memory_space<vmem>>
    %dma_start3A_3 = tpu.memref_squeeze %dma_start3A_2 : memref<1x128xi32, #tpu.memory_space<vmem>> -> memref<128xi32, #tpu.memory_space<vmem>>
    %dma_start3A_4 = arith.constant 0 : i32
    %dma_start3A_5 = arith.constant 0 : i32
    %dma_start3A_6 = tpu.memref_slice %arg3[%dma_start3A_4, %dma_start3A_5] : memref<64x128xf32, #tpu.memory_space<hbm>> -> memref<64x128xf32, #tpu.memory_space<hbm>>
    tpu.enqueue_indirect_dma source(%dma_start3A_6 : memref<64x128xf32, #tpu.memory_space<hbm>>) target(%arg6 : memref<128x128xf32, #tpu.memory_space<vmem>>) offsets(%dma_start3A_3 : memref<128xi32, #tpu.memory_space<vmem>>) semaphore(%arg8 : memref<!tpu.dma_semaphore, #tpu.memory_space<semaphore_mem>>)
    %scan3A = arith.constant 0 : i32
    %scan3A_7 = arith.constant 0 : i32
    %scan3A_8 = arith.constant 50 : i32
    %scan3A_9 = arith.addi %scan3A_7, %scan3A_8 : i32
    %scan3A_10 = arith.constant 1 : i32
    scf.for %scan3A_17 = %scan3A_7 to %scan3A_9 step %scan3A_10  : i32 {
      %mul3A_18 = arith.constant 2 : i32
      %mul3A_19 = arith.muli %mul3A_18, %scan3A_17 : i32
      %add3A_20 = arith.constant 1 : i32
      %add3A_21 = arith.addi %mul3A_19, %add3A_20 : i32
      %gt3A = arith.constant 0 : i32
      %gt3A_22 = arith.cmpi sgt, %scan3A_17, %gt3A : i32
      %convert_element_type3A = arith.extui %gt3A_22 : i1 to i32
      %cond3A = arith.constant 0 : i32
      %cond3A_23 = arith.cmpi ne, %convert_element_type3A, %cond3A : i32
      scf.if %cond3A_23 {
        %dma_wait3A_73 = arith.constant 0 : i32
        %dma_wait3A_74 = arith.constant 0 : i32
        %dma_wait3A_75 = tpu.memref_slice %arg4[%dma_wait3A_73, %dma_wait3A_74] : memref<409600x128xf32, #tpu.memory_space<hbm>> -> memref<128x128xf32, #tpu.memory_space<hbm>>
        %dma_wait3A_76 = arith.constant 0 : i32
        %dma_wait3A_77 = arith.constant 0 : i32
        %dma_wait3A_78 = tpu.memref_slice %arg4[%dma_wait3A_76, %dma_wait3A_77] : memref<409600x128xf32, #tpu.memory_space<hbm>> -> memref<128x128xf32, #tpu.memory_space<hbm>>
        tpu.wait_dma2 semaphore(%arg11 : memref<!tpu.dma_semaphore, #tpu.memory_space<semaphore_mem>>) src(%arg7 : memref<128x128xf32, #tpu.memory_space<vmem>>) dst(%dma_wait3A_78 : memref<128x128xf32, #tpu.memory_space<hbm>>)
      } else {
      }
      %dma_start3A_24 = arith.constant 0 : i32
      %dma_start3A_25 = tpu.memref_slice %arg5[%add3A_21, %dma_start3A_24] : memref<100x128xi32, #tpu.memory_space<vmem>> -> memref<1x128xi32, #tpu.memory_space<vmem>>
      %dma_start3A_26 = tpu.memref_squeeze %dma_start3A_25 : memref<1x128xi32, #tpu.memory_space<vmem>> -> memref<128xi32, #tpu.memory_space<vmem>>
      %dma_start3A_27 = arith.constant 0 : i32
      %dma_start3A_28 = arith.constant 0 : i32
      %dma_start3A_29 = tpu.memref_slice %arg3[%dma_start3A_27, %dma_start3A_28] : memref<64x128xf32, #tpu.memory_space<hbm>> -> memref<64x128xf32, #tpu.memory_space<hbm>>
      tpu.enqueue_indirect_dma source(%dma_start3A_29 : memref<64x128xf32, #tpu.memory_space<hbm>>) target(%arg7 : memref<128x128xf32, #tpu.memory_space<vmem>>) offsets(%dma_start3A_26 : memref<128xi32, #tpu.memory_space<vmem>>) semaphore(%arg9 : memref<!tpu.dma_semaphore, #tpu.memory_space<semaphore_mem>>)
      %dma_wait3A_30 = arith.constant 0 : i32
      %dma_wait3A_31 = arith.constant 0 : i32
      %dma_wait3A_32 = tpu.memref_slice %arg4[%dma_wait3A_30, %dma_wait3A_31] : memref<409600x128xf32, #tpu.memory_space<hbm>> -> memref<128x128xf32, #tpu.memory_space<hbm>>
      %dma_wait3A_33 = arith.constant 0 : i32
      %dma_wait3A_34 = arith.constant 0 : i32
      %dma_wait3A_35 = tpu.memref_slice %arg4[%dma_wait3A_33, %dma_wait3A_34] : memref<409600x128xf32, #tpu.memory_space<hbm>> -> memref<128x128xf32, #tpu.memory_space<hbm>>
      tpu.wait_dma2 semaphore(%arg8 : memref<!tpu.dma_semaphore, #tpu.memory_space<semaphore_mem>>) src(%arg6 : memref<128x128xf32, #tpu.memory_space<vmem>>) dst(%dma_wait3A_35 : memref<128x128xf32, #tpu.memory_space<hbm>>)
      %mul3A_36 = arith.constant 12800 : i32
      %mul3A_37 = arith.muli %add3A, %mul3A_36 : i32
      %mul3A_38 = arith.constant 128 : i32
      %mul3A_39 = arith.muli %mul3A_19, %mul3A_38 : i32
      %add3A_40 = arith.addi %mul3A_37, %mul3A_39 : i32
      %multiple_of3A = tpu.assume_multiple %add3A_40, 128 : i32
      %dma_start3A_41 = arith.constant 0 : i32
      %dma_start3A_42 = tpu.memref_slice %arg4[%multiple_of3A, %dma_start3A_41] : memref<409600x128xf32, #tpu.memory_space<hbm>> -> memref<128x128xf32, #tpu.memory_space<hbm>>
      %dma_start3A_43 = arith.constant 0 : i32
      %dma_start3A_44 = tpu.memref_slice %arg4[%multiple_of3A, %dma_start3A_43] : memref<409600x128xf32, #tpu.memory_space<hbm>> -> memref<128x128xf32, #tpu.memory_space<hbm>>
      tpu.enqueue_dma source(%arg6 : memref<128x128xf32, #tpu.memory_space<vmem>>) target(%dma_start3A_44 : memref<128x128xf32, #tpu.memory_space<hbm>>) target_semaphore(%arg10 : memref<!tpu.dma_semaphore, #tpu.memory_space<semaphore_mem>>)
      %dma_wait3A_45 = arith.constant 0 : i32
      %dma_wait3A_46 = arith.constant 0 : i32
      %dma_wait3A_47 = tpu.memref_slice %arg4[%dma_wait3A_45, %dma_wait3A_46] : memref<409600x128xf32, #tpu.memory_space<hbm>> -> memref<128x128xf32, #tpu.memory_space<hbm>>
      %dma_wait3A_48 = arith.constant 0 : i32
      %dma_wait3A_49 = arith.constant 0 : i32
      %dma_wait3A_50 = tpu.memref_slice %arg4[%dma_wait3A_48, %dma_wait3A_49] : memref<409600x128xf32, #tpu.memory_space<hbm>> -> memref<128x128xf32, #tpu.memory_space<hbm>>
      tpu.wait_dma2 semaphore(%arg10 : memref<!tpu.dma_semaphore, #tpu.memory_space<semaphore_mem>>) src(%arg6 : memref<128x128xf32, #tpu.memory_space<vmem>>) dst(%dma_wait3A_50 : memref<128x128xf32, #tpu.memory_space<hbm>>)
      %add3A_51 = arith.constant 1 : i32
      %add3A_52 = arith.addi %scan3A_17, %add3A_51 : i32
      %lt3A = arith.constant 50 : i32
      %lt3A_53 = arith.cmpi slt, %add3A_52, %lt3A : i32
      %convert_element_type3A_54 = arith.extui %lt3A_53 : i1 to i32
      %cond3A_55 = arith.constant 0 : i32
      %cond3A_56 = arith.cmpi ne, %convert_element_type3A_54, %cond3A_55 : i32
      scf.if %cond3A_56 {
        %add3A_73 = arith.constant 2 : i32
        %add3A_74 = arith.addi %mul3A_19, %add3A_73 : i32
        %dma_start3A_75 = arith.constant 0 : i32
        %dma_start3A_76 = tpu.memref_slice %arg5[%add3A_74, %dma_start3A_75] : memref<100x128xi32, #tpu.memory_space<vmem>> -> memref<1x128xi32, #tpu.memory_space<vmem>>
        %dma_start3A_77 = tpu.memref_squeeze %dma_start3A_76 : memref<1x128xi32, #tpu.memory_space<vmem>> -> memref<128xi32, #tpu.memory_space<vmem>>
        %dma_start3A_78 = arith.constant 0 : i32
        %dma_start3A_79 = arith.constant 0 : i32
        %dma_start3A_80 = tpu.memref_slice %arg3[%dma_start3A_78, %dma_start3A_79] : memref<64x128xf32, #tpu.memory_space<hbm>> -> memref<64x128xf32, #tpu.memory_space<hbm>>
        tpu.enqueue_indirect_dma source(%dma_start3A_80 : memref<64x128xf32, #tpu.memory_space<hbm>>) target(%arg6 : memref<128x128xf32, #tpu.memory_space<vmem>>) offsets(%dma_start3A_77 : memref<128xi32, #tpu.memory_space<vmem>>) semaphore(%arg8 : memref<!tpu.dma_semaphore, #tpu.memory_space<semaphore_mem>>)
      } else {
      }
      %dma_wait3A_57 = arith.constant 0 : i32
      %dma_wait3A_58 = arith.constant 0 : i32
      %dma_wait3A_59 = tpu.memref_slice %arg4[%dma_wait3A_57, %dma_wait3A_58] : memref<409600x128xf32, #tpu.memory_space<hbm>> -> memref<128x128xf32, #tpu.memory_space<hbm>>
      %dma_wait3A_60 = arith.constant 0 : i32
      %dma_wait3A_61 = arith.constant 0 : i32
      %dma_wait3A_62 = tpu.memref_slice %arg4[%dma_wait3A_60, %dma_wait3A_61] : memref<409600x128xf32, #tpu.memory_space<hbm>> -> memref<128x128xf32, #tpu.memory_space<hbm>>
      tpu.wait_dma2 semaphore(%arg9 : memref<!tpu.dma_semaphore, #tpu.memory_space<semaphore_mem>>) src(%arg7 : memref<128x128xf32, #tpu.memory_space<vmem>>) dst(%dma_wait3A_62 : memref<128x128xf32, #tpu.memory_space<hbm>>)
      %mul3A_63 = arith.constant 12800 : i32
      %mul3A_64 = arith.muli %add3A, %mul3A_63 : i32
      %mul3A_65 = arith.constant 128 : i32
      %mul3A_66 = arith.muli %add3A_21, %mul3A_65 : i32
      %add3A_67 = arith.addi %mul3A_64, %mul3A_66 : i32
      %multiple_of3A_68 = tpu.assume_multiple %add3A_67, 128 : i32
      %dma_start3A_69 = arith.constant 0 : i32
      %dma_start3A_70 = tpu.memref_slice %arg4[%multiple_of3A_68, %dma_start3A_69] : memref<409600x128xf32, #tpu.memory_space<hbm>> -> memref<128x128xf32, #tpu.memory_space<hbm>>
      %dma_start3A_71 = arith.constant 0 : i32
      %dma_start3A_72 = tpu.memref_slice %arg4[%multiple_of3A_68, %dma_start3A_71] : memref<409600x128xf32, #tpu.memory_space<hbm>> -> memref<128x128xf32, #tpu.memory_space<hbm>>
      tpu.enqueue_dma source(%arg7 : memref<128x128xf32, #tpu.memory_space<vmem>>) target(%dma_start3A_72 : memref<128x128xf32, #tpu.memory_space<hbm>>) target_semaphore(%arg11 : memref<!tpu.dma_semaphore, #tpu.memory_space<semaphore_mem>>)
    }
    %scan3A_11 = arith.constant 50 : i32
    %dma_wait3A = arith.constant 0 : i32
    %dma_wait3A_12 = arith.constant 0 : i32
    %dma_wait3A_13 = tpu.memref_slice %arg4[%dma_wait3A, %dma_wait3A_12] : memref<409600x128xf32, #tpu.memory_space<hbm>> -> memref<128x128xf32, #tpu.memory_space<hbm>>
    %dma_wait3A_14 = arith.constant 0 : i32
    %dma_wait3A_15 = arith.constant 0 : i32
    %dma_wait3A_16 = tpu.memref_slice %arg4[%dma_wait3A_14, %dma_wait3A_15] : memref<409600x128xf32, #tpu.memory_space<hbm>> -> memref<128x128xf32, #tpu.memory_space<hbm>>
    tpu.wait_dma2 semaphore(%arg11 : memref<!tpu.dma_semaphore, #tpu.memory_space<semaphore_mem>>) src(%arg7 : memref<128x128xf32, #tpu.memory_space<vmem>>) dst(%dma_wait3A_16 : memref<128x128xf32, #tpu.memory_space<hbm>>)
    return
  }
}

module attributes {stable_mosaic.version = 14 : i64} {
  func.func @_build_pair_table(%arg0: memref<7x64xf32, #tpu.memory_space<vmem>>, %arg1: memref<64x128xf32, #tpu.memory_space<vmem>>) attributes {dimension_semantics = [], scalar_prefetch = 0 : i64, scratch_operands = 0 : i64, tpu.core_type = #tpu.core_type<tc>} {
    %iota3A = tpu.iota {dimensions = array<i32: 0>} : vector<64x1xi32>
    %shift_right_arithmetic3A = arith.constant 3 : i32
    %shift_right_arithmetic3A_0 = vector.broadcast %shift_right_arithmetic3A : i32 to vector<64x1xi32>
    %shift_right_arithmetic3A_1 = arith.shrsi %iota3A, %shift_right_arithmetic3A_0 : vector<64x1xi32>
    %and3A = arith.constant 7 : i32
    %and3A_2 = vector.broadcast %and3A : i32 to vector<64x1xi32>
    %and3A_3 = arith.andi %iota3A, %and3A_2 : vector<64x1xi32>
    %broadcast_in_dim3A = arith.constant 0.000000e+00 : f32
    %broadcast_in_dim3A_4 = vector.broadcast %broadcast_in_dim3A : f32 to vector<64x64xf32>
    %broadcast_in_dim3A_5 = arith.constant 0.000000e+00 : f32
    %broadcast_in_dim3A_6 = vector.broadcast %broadcast_in_dim3A_5 : f32 to vector<64x64xf32>
    %get3A = arith.constant 0 : index
    %get3A_7 = arith.constant 0 : index
    %get3A_8 = vector.load %arg0[%get3A, %get3A_7] : memref<7x64xf32, #tpu.memory_space<vmem>>, vector<1x64xf32>
    %eq3A = arith.constant 0 : i32
    %eq3A_9 = vector.broadcast %eq3A : i32 to vector<64x1xi32>
    %eq3A_10 = arith.cmpi eq, %shift_right_arithmetic3A_1, %eq3A_9 : vector<64x1xi32>
    %jit3A = arith.constant 1.000000e+00 : f32
    %jit3A_11 = arith.constant 0.000000e+00 : f32
    %broadcast_in_dim3A_12 = vector.broadcast %jit3A : f32 to vector<64x1xf32>
    %broadcast_in_dim3A_13 = vector.broadcast %jit3A_11 : f32 to vector<64x1xf32>
    %select_n3A = arith.select %eq3A_10, %broadcast_in_dim3A_12, %broadcast_in_dim3A_13 : vector<64x1xi1>, vector<64x1xf32>
    %mul3A = vector.broadcast %select_n3A : vector<64x1xf32> to vector<64x64xf32>
    %mul3A_14 = vector.broadcast %get3A_8 : vector<1x64xf32> to vector<64x64xf32>
    %mul3A_15 = arith.mulf %mul3A, %mul3A_14 : vector<64x64xf32>
    %add3A = arith.addf %broadcast_in_dim3A_4, %mul3A_15 : vector<64x64xf32>
    %eq3A_16 = arith.constant 0 : i32
    %eq3A_17 = vector.broadcast %eq3A_16 : i32 to vector<64x1xi32>
    %eq3A_18 = arith.cmpi eq, %and3A_3, %eq3A_17 : vector<64x1xi32>
    %jit3A_19 = arith.constant 1.000000e+00 : f32
    %jit3A_20 = arith.constant 0.000000e+00 : f32
    %broadcast_in_dim3A_21 = vector.broadcast %jit3A_19 : f32 to vector<64x1xf32>
    %broadcast_in_dim3A_22 = vector.broadcast %jit3A_20 : f32 to vector<64x1xf32>
    %select_n3A_23 = arith.select %eq3A_18, %broadcast_in_dim3A_21, %broadcast_in_dim3A_22 : vector<64x1xi1>, vector<64x1xf32>
    %mul3A_24 = vector.broadcast %select_n3A_23 : vector<64x1xf32> to vector<64x64xf32>
    %mul3A_25 = vector.broadcast %get3A_8 : vector<1x64xf32> to vector<64x64xf32>
    %mul3A_26 = arith.mulf %mul3A_24, %mul3A_25 : vector<64x64xf32>
    %add3A_27 = arith.addf %broadcast_in_dim3A_6, %mul3A_26 : vector<64x64xf32>
    %get3A_28 = arith.constant 1 : index
    %get3A_29 = arith.constant 0 : index
    %get3A_30 = vector.load %arg0[%get3A_28, %get3A_29] : memref<7x64xf32, #tpu.memory_space<vmem>>, vector<1x64xf32>
    %eq3A_31 = arith.constant 1 : i32
    %eq3A_32 = vector.broadcast %eq3A_31 : i32 to vector<64x1xi32>
    %eq3A_33 = arith.cmpi eq, %shift_right_arithmetic3A_1, %eq3A_32 : vector<64x1xi32>
    %jit3A_34 = arith.constant 1.000000e+00 : f32
    %jit3A_35 = arith.constant 0.000000e+00 : f32
    %broadcast_in_dim3A_36 = vector.broadcast %jit3A_34 : f32 to vector<64x1xf32>
    %broadcast_in_dim3A_37 = vector.broadcast %jit3A_35 : f32 to vector<64x1xf32>
    %select_n3A_38 = arith.select %eq3A_33, %broadcast_in_dim3A_36, %broadcast_in_dim3A_37 : vector<64x1xi1>, vector<64x1xf32>
    %mul3A_39 = vector.broadcast %select_n3A_38 : vector<64x1xf32> to vector<64x64xf32>
    %mul3A_40 = vector.broadcast %get3A_30 : vector<1x64xf32> to vector<64x64xf32>
    %mul3A_41 = arith.mulf %mul3A_39, %mul3A_40 : vector<64x64xf32>
    %add3A_42 = arith.addf %add3A, %mul3A_41 : vector<64x64xf32>
    %eq3A_43 = arith.constant 1 : i32
    %eq3A_44 = vector.broadcast %eq3A_43 : i32 to vector<64x1xi32>
    %eq3A_45 = arith.cmpi eq, %and3A_3, %eq3A_44 : vector<64x1xi32>
    %jit3A_46 = arith.constant 1.000000e+00 : f32
    %jit3A_47 = arith.constant 0.000000e+00 : f32
    %broadcast_in_dim3A_48 = vector.broadcast %jit3A_46 : f32 to vector<64x1xf32>
    %broadcast_in_dim3A_49 = vector.broadcast %jit3A_47 : f32 to vector<64x1xf32>
    %select_n3A_50 = arith.select %eq3A_45, %broadcast_in_dim3A_48, %broadcast_in_dim3A_49 : vector<64x1xi1>, vector<64x1xf32>
    %mul3A_51 = vector.broadcast %select_n3A_50 : vector<64x1xf32> to vector<64x64xf32>
    %mul3A_52 = vector.broadcast %get3A_30 : vector<1x64xf32> to vector<64x64xf32>
    %mul3A_53 = arith.mulf %mul3A_51, %mul3A_52 : vector<64x64xf32>
    %add3A_54 = arith.addf %add3A_27, %mul3A_53 : vector<64x64xf32>
    %get3A_55 = arith.constant 2 : index
    %get3A_56 = arith.constant 0 : index
    %get3A_57 = vector.load %arg0[%get3A_55, %get3A_56] : memref<7x64xf32, #tpu.memory_space<vmem>>, vector<1x64xf32>
    %eq3A_58 = arith.constant 2 : i32
    %eq3A_59 = vector.broadcast %eq3A_58 : i32 to vector<64x1xi32>
    %eq3A_60 = arith.cmpi eq, %shift_right_arithmetic3A_1, %eq3A_59 : vector<64x1xi32>
    %jit3A_61 = arith.constant 1.000000e+00 : f32
    %jit3A_62 = arith.constant 0.000000e+00 : f32
    %broadcast_in_dim3A_63 = vector.broadcast %jit3A_61 : f32 to vector<64x1xf32>
    %broadcast_in_dim3A_64 = vector.broadcast %jit3A_62 : f32 to vector<64x1xf32>
    %select_n3A_65 = arith.select %eq3A_60, %broadcast_in_dim3A_63, %broadcast_in_dim3A_64 : vector<64x1xi1>, vector<64x1xf32>
    %mul3A_66 = vector.broadcast %select_n3A_65 : vector<64x1xf32> to vector<64x64xf32>
    %mul3A_67 = vector.broadcast %get3A_57 : vector<1x64xf32> to vector<64x64xf32>
    %mul3A_68 = arith.mulf %mul3A_66, %mul3A_67 : vector<64x64xf32>
    %add3A_69 = arith.addf %add3A_42, %mul3A_68 : vector<64x64xf32>
    %eq3A_70 = arith.constant 2 : i32
    %eq3A_71 = vector.broadcast %eq3A_70 : i32 to vector<64x1xi32>
    %eq3A_72 = arith.cmpi eq, %and3A_3, %eq3A_71 : vector<64x1xi32>
    %jit3A_73 = arith.constant 1.000000e+00 : f32
    %jit3A_74 = arith.constant 0.000000e+00 : f32
    %broadcast_in_dim3A_75 = vector.broadcast %jit3A_73 : f32 to vector<64x1xf32>
    %broadcast_in_dim3A_76 = vector.broadcast %jit3A_74 : f32 to vector<64x1xf32>
    %select_n3A_77 = arith.select %eq3A_72, %broadcast_in_dim3A_75, %broadcast_in_dim3A_76 : vector<64x1xi1>, vector<64x1xf32>
    %mul3A_78 = vector.broadcast %select_n3A_77 : vector<64x1xf32> to vector<64x64xf32>
    %mul3A_79 = vector.broadcast %get3A_57 : vector<1x64xf32> to vector<64x64xf32>
    %mul3A_80 = arith.mulf %mul3A_78, %mul3A_79 : vector<64x64xf32>
    %add3A_81 = arith.addf %add3A_54, %mul3A_80 : vector<64x64xf32>
    %get3A_82 = arith.constant 3 : index
    %get3A_83 = arith.constant 0 : index
    %get3A_84 = vector.load %arg0[%get3A_82, %get3A_83] : memref<7x64xf32, #tpu.memory_space<vmem>>, vector<1x64xf32>
    %eq3A_85 = arith.constant 3 : i32
    %eq3A_86 = vector.broadcast %eq3A_85 : i32 to vector<64x1xi32>
    %eq3A_87 = arith.cmpi eq, %shift_right_arithmetic3A_1, %eq3A_86 : vector<64x1xi32>
    %jit3A_88 = arith.constant 1.000000e+00 : f32
    %jit3A_89 = arith.constant 0.000000e+00 : f32
    %broadcast_in_dim3A_90 = vector.broadcast %jit3A_88 : f32 to vector<64x1xf32>
    %broadcast_in_dim3A_91 = vector.broadcast %jit3A_89 : f32 to vector<64x1xf32>
    %select_n3A_92 = arith.select %eq3A_87, %broadcast_in_dim3A_90, %broadcast_in_dim3A_91 : vector<64x1xi1>, vector<64x1xf32>
    %mul3A_93 = vector.broadcast %select_n3A_92 : vector<64x1xf32> to vector<64x64xf32>
    %mul3A_94 = vector.broadcast %get3A_84 : vector<1x64xf32> to vector<64x64xf32>
    %mul3A_95 = arith.mulf %mul3A_93, %mul3A_94 : vector<64x64xf32>
    %add3A_96 = arith.addf %add3A_69, %mul3A_95 : vector<64x64xf32>
    %eq3A_97 = arith.constant 3 : i32
    %eq3A_98 = vector.broadcast %eq3A_97 : i32 to vector<64x1xi32>
    %eq3A_99 = arith.cmpi eq, %and3A_3, %eq3A_98 : vector<64x1xi32>
    %jit3A_100 = arith.constant 1.000000e+00 : f32
    %jit3A_101 = arith.constant 0.000000e+00 : f32
    %broadcast_in_dim3A_102 = vector.broadcast %jit3A_100 : f32 to vector<64x1xf32>
    %broadcast_in_dim3A_103 = vector.broadcast %jit3A_101 : f32 to vector<64x1xf32>
    %select_n3A_104 = arith.select %eq3A_99, %broadcast_in_dim3A_102, %broadcast_in_dim3A_103 : vector<64x1xi1>, vector<64x1xf32>
    %mul3A_105 = vector.broadcast %select_n3A_104 : vector<64x1xf32> to vector<64x64xf32>
    %mul3A_106 = vector.broadcast %get3A_84 : vector<1x64xf32> to vector<64x64xf32>
    %mul3A_107 = arith.mulf %mul3A_105, %mul3A_106 : vector<64x64xf32>
    %add3A_108 = arith.addf %add3A_81, %mul3A_107 : vector<64x64xf32>
    %get3A_109 = arith.constant 4 : index
    %get3A_110 = arith.constant 0 : index
    %get3A_111 = vector.load %arg0[%get3A_109, %get3A_110] : memref<7x64xf32, #tpu.memory_space<vmem>>, vector<1x64xf32>
    %eq3A_112 = arith.constant 4 : i32
    %eq3A_113 = vector.broadcast %eq3A_112 : i32 to vector<64x1xi32>
    %eq3A_114 = arith.cmpi eq, %shift_right_arithmetic3A_1, %eq3A_113 : vector<64x1xi32>
    %jit3A_115 = arith.constant 1.000000e+00 : f32
    %jit3A_116 = arith.constant 0.000000e+00 : f32
    %broadcast_in_dim3A_117 = vector.broadcast %jit3A_115 : f32 to vector<64x1xf32>
    %broadcast_in_dim3A_118 = vector.broadcast %jit3A_116 : f32 to vector<64x1xf32>
    %select_n3A_119 = arith.select %eq3A_114, %broadcast_in_dim3A_117, %broadcast_in_dim3A_118 : vector<64x1xi1>, vector<64x1xf32>
    %mul3A_120 = vector.broadcast %select_n3A_119 : vector<64x1xf32> to vector<64x64xf32>
    %mul3A_121 = vector.broadcast %get3A_111 : vector<1x64xf32> to vector<64x64xf32>
    %mul3A_122 = arith.mulf %mul3A_120, %mul3A_121 : vector<64x64xf32>
    %add3A_123 = arith.addf %add3A_96, %mul3A_122 : vector<64x64xf32>
    %eq3A_124 = arith.constant 4 : i32
    %eq3A_125 = vector.broadcast %eq3A_124 : i32 to vector<64x1xi32>
    %eq3A_126 = arith.cmpi eq, %and3A_3, %eq3A_125 : vector<64x1xi32>
    %jit3A_127 = arith.constant 1.000000e+00 : f32
    %jit3A_128 = arith.constant 0.000000e+00 : f32
    %broadcast_in_dim3A_129 = vector.broadcast %jit3A_127 : f32 to vector<64x1xf32>
    %broadcast_in_dim3A_130 = vector.broadcast %jit3A_128 : f32 to vector<64x1xf32>
    %select_n3A_131 = arith.select %eq3A_126, %broadcast_in_dim3A_129, %broadcast_in_dim3A_130 : vector<64x1xi1>, vector<64x1xf32>
    %mul3A_132 = vector.broadcast %select_n3A_131 : vector<64x1xf32> to vector<64x64xf32>
    %mul3A_133 = vector.broadcast %get3A_111 : vector<1x64xf32> to vector<64x64xf32>
    %mul3A_134 = arith.mulf %mul3A_132, %mul3A_133 : vector<64x64xf32>
    %add3A_135 = arith.addf %add3A_108, %mul3A_134 : vector<64x64xf32>
    %get3A_136 = arith.constant 5 : index
    %get3A_137 = arith.constant 0 : index
    %get3A_138 = vector.load %arg0[%get3A_136, %get3A_137] : memref<7x64xf32, #tpu.memory_space<vmem>>, vector<1x64xf32>
    %eq3A_139 = arith.constant 5 : i32
    %eq3A_140 = vector.broadcast %eq3A_139 : i32 to vector<64x1xi32>
    %eq3A_141 = arith.cmpi eq, %shift_right_arithmetic3A_1, %eq3A_140 : vector<64x1xi32>
    %jit3A_142 = arith.constant 1.000000e+00 : f32
    %jit3A_143 = arith.constant 0.000000e+00 : f32
    %broadcast_in_dim3A_144 = vector.broadcast %jit3A_142 : f32 to vector<64x1xf32>
    %broadcast_in_dim3A_145 = vector.broadcast %jit3A_143 : f32 to vector<64x1xf32>
    %select_n3A_146 = arith.select %eq3A_141, %broadcast_in_dim3A_144, %broadcast_in_dim3A_145 : vector<64x1xi1>, vector<64x1xf32>
    %mul3A_147 = vector.broadcast %select_n3A_146 : vector<64x1xf32> to vector<64x64xf32>
    %mul3A_148 = vector.broadcast %get3A_138 : vector<1x64xf32> to vector<64x64xf32>
    %mul3A_149 = arith.mulf %mul3A_147, %mul3A_148 : vector<64x64xf32>
    %add3A_150 = arith.addf %add3A_123, %mul3A_149 : vector<64x64xf32>
    %eq3A_151 = arith.constant 5 : i32
    %eq3A_152 = vector.broadcast %eq3A_151 : i32 to vector<64x1xi32>
    %eq3A_153 = arith.cmpi eq, %and3A_3, %eq3A_152 : vector<64x1xi32>
    %jit3A_154 = arith.constant 1.000000e+00 : f32
    %jit3A_155 = arith.constant 0.000000e+00 : f32
    %broadcast_in_dim3A_156 = vector.broadcast %jit3A_154 : f32 to vector<64x1xf32>
    %broadcast_in_dim3A_157 = vector.broadcast %jit3A_155 : f32 to vector<64x1xf32>
    %select_n3A_158 = arith.select %eq3A_153, %broadcast_in_dim3A_156, %broadcast_in_dim3A_157 : vector<64x1xi1>, vector<64x1xf32>
    %mul3A_159 = vector.broadcast %select_n3A_158 : vector<64x1xf32> to vector<64x64xf32>
    %mul3A_160 = vector.broadcast %get3A_138 : vector<1x64xf32> to vector<64x64xf32>
    %mul3A_161 = arith.mulf %mul3A_159, %mul3A_160 : vector<64x64xf32>
    %add3A_162 = arith.addf %add3A_135, %mul3A_161 : vector<64x64xf32>
    %get3A_163 = arith.constant 6 : index
    %get3A_164 = arith.constant 0 : index
    %get3A_165 = vector.load %arg0[%get3A_163, %get3A_164] : memref<7x64xf32, #tpu.memory_space<vmem>>, vector<1x64xf32>
    %eq3A_166 = arith.constant 6 : i32
    %eq3A_167 = vector.broadcast %eq3A_166 : i32 to vector<64x1xi32>
    %eq3A_168 = arith.cmpi eq, %shift_right_arithmetic3A_1, %eq3A_167 : vector<64x1xi32>
    %jit3A_169 = arith.constant 1.000000e+00 : f32
    %jit3A_170 = arith.constant 0.000000e+00 : f32
    %broadcast_in_dim3A_171 = vector.broadcast %jit3A_169 : f32 to vector<64x1xf32>
    %broadcast_in_dim3A_172 = vector.broadcast %jit3A_170 : f32 to vector<64x1xf32>
    %select_n3A_173 = arith.select %eq3A_168, %broadcast_in_dim3A_171, %broadcast_in_dim3A_172 : vector<64x1xi1>, vector<64x1xf32>
    %mul3A_174 = vector.broadcast %select_n3A_173 : vector<64x1xf32> to vector<64x64xf32>
    %mul3A_175 = vector.broadcast %get3A_165 : vector<1x64xf32> to vector<64x64xf32>
    %mul3A_176 = arith.mulf %mul3A_174, %mul3A_175 : vector<64x64xf32>
    %add3A_177 = arith.addf %add3A_150, %mul3A_176 : vector<64x64xf32>
    %eq3A_178 = arith.constant 6 : i32
    %eq3A_179 = vector.broadcast %eq3A_178 : i32 to vector<64x1xi32>
    %eq3A_180 = arith.cmpi eq, %and3A_3, %eq3A_179 : vector<64x1xi32>
    %jit3A_181 = arith.constant 1.000000e+00 : f32
    %jit3A_182 = arith.constant 0.000000e+00 : f32
    %broadcast_in_dim3A_183 = vector.broadcast %jit3A_181 : f32 to vector<64x1xf32>
    %broadcast_in_dim3A_184 = vector.broadcast %jit3A_182 : f32 to vector<64x1xf32>
    %select_n3A_185 = arith.select %eq3A_180, %broadcast_in_dim3A_183, %broadcast_in_dim3A_184 : vector<64x1xi1>, vector<64x1xf32>
    %mul3A_186 = vector.broadcast %select_n3A_185 : vector<64x1xf32> to vector<64x64xf32>
    %mul3A_187 = vector.broadcast %get3A_165 : vector<1x64xf32> to vector<64x64xf32>
    %mul3A_188 = arith.mulf %mul3A_186, %mul3A_187 : vector<64x64xf32>
    %add3A_189 = arith.addf %add3A_162, %mul3A_188 : vector<64x64xf32>
    %swap3A = arith.constant 0 : index
    %swap3A_190 = arith.constant 0 : index
    %swap3A_191 = vector.load %arg1[%swap3A, %swap3A_190] : memref<64x128xf32, #tpu.memory_space<vmem>>, vector<64x64xf32>
    tpu.vector_store %arg1[%swap3A, %swap3A_190], %add3A_177 {strides = array<i32>} : memref<64x128xf32, #tpu.memory_space<vmem>>, vector<64x64xf32>,
    %swap3A_192 = arith.constant 0 : index
    %swap3A_193 = arith.constant 64 : index
    %swap3A_194 = vector.load %arg1[%swap3A_192, %swap3A_193] : memref<64x128xf32, #tpu.memory_space<vmem>>, vector<64x64xf32>
    tpu.vector_store %arg1[%swap3A_192, %swap3A_193], %add3A_189 {strides = array<i32>} : memref<64x128xf32, #tpu.memory_space<vmem>>, vector<64x64xf32>,
    return
  }
}

module attributes {stable_mosaic.version = 14 : i64} {
  func.func @_pair_index_kernel(%arg0: memref<6400x128xi32, #tpu.memory_space<vmem>>, %arg1: memref<6400x64xi32, #tpu.memory_space<vmem>>) attributes {dimension_semantics = [], scalar_prefetch = 0 : i64, scratch_operands = 0 : i64, tpu.core_type = #tpu.core_type<tc>} {
    %get3A = arith.constant 0 : index
    %get3A_0 = arith.constant 0 : index
    %get3A_1 = vector.load %arg0[%get3A, %get3A_0] : memref<6400x128xi32, #tpu.memory_space<vmem>>, vector<6400x128xi32>
    %convert_element_type3A = arith.sitofp %get3A_1 : vector<6400x128xi32> to vector<6400x128xf32>
    %iota3A = tpu.iota {dimensions = array<i32: 1>} : vector<1x128xi32>
    %jit3A = arith.constant 2 : i32
    %eq3A = arith.constant 0 : i32
    %eq3A_2 = arith.cmpi eq, %jit3A, %eq3A : i32
    %jit3A_3 = arith.constant 1 : i32
    %select_n3A = arith.select %eq3A_2, %jit3A_3, %jit3A : i32
    %rem3A = vector.broadcast %select_n3A : i32 to vector<1x128xi32>
    %rem3A_4 = arith.remsi %iota3A, %rem3A : vector<1x128xi32>
    %ne3A = arith.constant 0 : i32
    %ne3A_5 = vector.broadcast %ne3A : i32 to vector<1x128xi32>
    %ne3A_6 = arith.cmpi ne, %rem3A_4, %ne3A_5 : vector<1x128xi32>
    %lt3A = arith.constant 0 : i32
    %lt3A_7 = vector.broadcast %lt3A : i32 to vector<1x128xi32>
    %lt3A_8 = arith.cmpi slt, %rem3A_4, %lt3A_7 : vector<1x128xi32>
    %lt3A_9 = arith.constant 0 : i32
    %lt3A_10 = arith.cmpi slt, %select_n3A, %lt3A_9 : i32
    %ne3A_11 = vector.broadcast %lt3A_10 : i1 to vector<1x128xi1>
    %ne3A_12 = vector.broadcast %ne3A_11 : vector<1x128xi1> to vector<1x128xi1>
    %ne3A_13 = arith.xori %lt3A_8, %ne3A_12 : vector<1x128xi1>
    %and3A = arith.andi %ne3A_13, %ne3A_6 : vector<1x128xi1>
    %add3A = vector.broadcast %select_n3A : i32 to vector<1x128xi32>
    %add3A_14 = arith.addi %rem3A_4, %add3A : vector<1x128xi32>
    %select_n3A_15 = arith.select %and3A, %add3A_14, %rem3A_4 : vector<1x128xi1>, vector<1x128xi32>
    %eq3A_16 = arith.constant 0 : i32
    %eq3A_17 = vector.broadcast %eq3A_16 : i32 to vector<1x128xi32>
    %eq3A_18 = arith.cmpi eq, %select_n3A_15, %eq3A_17 : vector<1x128xi32>
    %jit3A_19 = arith.constant 8.000000e+00 : f32
    %jit3A_20 = arith.constant 1.000000e+00 : f32
    %broadcast_in_dim3A = vector.broadcast %jit3A_19 : f32 to vector<1x128xf32>
    %broadcast_in_dim3A_21 = vector.broadcast %jit3A_20 : f32 to vector<1x128xf32>
    %select_n3A_22 = arith.select %eq3A_18, %broadcast_in_dim3A, %broadcast_in_dim3A_21 : vector<1x128xi1>, vector<1x128xf32>
    %mul3A = vector.broadcast %select_n3A_22 : vector<1x128xf32> to vector<6400x128xf32>
    %mul3A_23 = arith.mulf %convert_element_type3A, %mul3A : vector<6400x128xf32>
    %iota3A_24 = tpu.iota {dimensions = array<i32: 0>} : vector<128x64xi32>
    %shift_right_arithmetic3A = arith.constant 1 : i32
    %shift_right_arithmetic3A_25 = vector.broadcast %shift_right_arithmetic3A : i32 to vector<128x64xi32>
    %shift_right_arithmetic3A_26 = arith.shrsi %iota3A_24, %shift_right_arithmetic3A_25 : vector<128x64xi32>
    %iota3A_27 = tpu.iota {dimensions = array<i32: 1>} : vector<128x64xi32>
    %eq3A_28 = arith.cmpi eq, %shift_right_arithmetic3A_26, %iota3A_27 : vector<128x64xi32>
    %convert_element_type3A_29 = arith.extui %eq3A_28 : vector<128x64xi1> to vector<128x64xi32>
    %convert_element_type3A_30 = arith.sitofp %convert_element_type3A_29 : vector<128x64xi32> to vector<128x64xf32>
    %dot_general3A = arith.constant dense<0.000000e+00> : vector<6400x64xf32>
    %dot_general3A_31 = tpu.matmul %mul3A_23, %convert_element_type3A_30, %dot_general3A {dimension_numbers = #tpu.dot_dimension_numbers<[1], [0], [0], [1], [0, 0, 1, 1], [], []>, transpose_lhs_hint = false} : vector<6400x128xf32>, vector<128x64xf32>, vector<6400x64xf32> -> vector<6400x64xf32>
    %convert_element_type3A_32 = arith.fptosi %dot_general3A_31 : vector<6400x64xf32> to vector<6400x64xi32>
    %swap3A = arith.constant 0 : index
    %swap3A_33 = arith.constant 0 : index
    %swap3A_34 = vector.load %arg1[%swap3A, %swap3A_33] : memref<6400x64xi32, #tpu.memory_space<vmem>>, vector<6400x64xi32>
    tpu.vector_store %arg1[%swap3A, %swap3A_33], %convert_element_type3A_32 {strides = array<i32>} : memref<6400x64xi32, #tpu.memory_space<vmem>>, vector<6400x64xi32>,
    return
  }
}

</mosaic_0001>

<sc_bundles>
// kernel: kernel.5.cloned.1.call-start
scs
__scs_entry_jumppad:
0x0: {  	(pc) =	sbr.rel $0x88, $3  }
0x1: {  	(tag) =	ssettag $0x0;
	lr =	simm.s32 $0x1  }
0x2: {  	[smem:$0x3F9F] =	sst lr;
	_ =	strace $0xD0000000  }
0x3: {  	_ = 	snop  }
0x4: {  	_ = 	snop  }
0x5: {  	_ = 	snop  }
0x6: {  	_ = 	snop  }
0x7: {  	_ = 	snop  }
__scs_overlays_trampoline_lowered:
0x8: {  	[smem:$0x3FAE] =	sst s0  }
0x9: {  	[smem:$0x3FAF] =	sst s1  }
0xa: {  	[smem:$0x3FB0] =	sst s2  }
0xb: {  	[smem:$0x3FB1] =	sst s3  }
0xc: {  	[smem:$0x3FB2] =	sst s4  }
0xd: {  	[smem:$0x3FB3] =	sst s5  }
0xe: {  	[smem:$0x3FB4] =	sst s6  }
0xf: {  	[smem:$0x3FB5] =	sst s7  }
0x10: {  	[smem:$0x3FB6] =	sst s8  }
0x11: {  	[smem:$0x3FB7] =	sst s9;
	s0 =	simm.s32 @!p0 $0x0  }
0x12: {  	s1 =	sld [smem:$0x3F9D];
	s0 =	simm.s32 @p0 $0x1  }
0x13: {  	[smem:$0x3FB8] =	sst s0;
	s0 =	simm.s32 @!p1 $0x0  }
0x14: {  	s2 =	sld [smem:$0x3F9C];
	s0 =	simm.s32 @p1 $0x1  }
0x15: {  	[smem:$0x3FB9] =	sst s0;
	s0 =	simm.s32 @!p2 $0x0  }
0x16: {  	s3 =	sld [smem:$0x3FDB];
	s0 =	simm.s32 @p2 $0x1  }
0x17: {  	s4 =	simm.s32 $0x1BF5;
	[smem:$0x3FBB] =	sst s0  }
0x18: {  	s0 =	sld [smem:$0x3F9E];
	_ =	swait.ge [sflag:s4], $0x0  }
0x19: {  	s7 =	sld [smem:$0x3F9F]  }
0x1a: {  	s8 =	sadd.s32 $0xFFFFE003, lr  }
0x1b: {  	s9 =	sadd.s32 $0xFFFFFEF7, lr;
	s5 =	simm.s32 $0xFFFFFFFF;
	p2 =	slt.u32 s8, $0xFFFFF086  }
0x1c: {  	p1 =	slt.u32 s9, $0xF7A;
	s5 =	simm.s32 @!p2 $0x0  }
0x1d: {  	s5 =	simm.s32 @p1 $0x1;
	p0 =	seq.s32 s7, s2  }
0x1e: {  	s7 =	smul.u32 @!p0 $0xF7A, s2;
	p2 =	seq.s32 @!p0 s5, $0x0  }
0x1f: {  	s9 =	smul.u32 $0xF7A, s1;
	s8 =	simm.s32 @!p0 $0x1BF5;
	p2 =	por !p2, p0  }
0x20: {  	[sflag:s8] =	ssyncset.s32 @!p0 $0xFFFFF086;
	s6 =	sadd.s32 @!p0 s3, s7;
	s7 =	simm.s32 @!p0 $0x108  }
0x21: {  	s3 =	sadd.s32 s3, s9;
	s6 =	sadd.s32 @!p0 $0x88, s6;
	s7 =	simm.s32 @p2 $0x1082  }
0x22: {  	[simem:s7], [sflag:s8] =	dma.local @!p0 [hbm:s6], $0xF7A  }
0x23: {  	s9 =	sor.u32 $0xD0000000, s2;
	s6 =	simm.s32 $0x108;
	_ =	swait.ge @!p0 [sflag:s8], $0x0  }
0x24: {  	s3 =	sadd.s32 $0x88, s3;
	s6 =	simm.s32 @!p1 $0x1082;
	[sflag:s4] =	ssyncset.s32 $0xFFFFF086  }
0x25: {  	[simem:s6], [sflag:s4] =	dma.local [hbm:s3], $0xF7A  }
0x26: {  	[smem:$0x3F9F] =	sst s1;
	(tag) =	ssettag s2;
	_ =	strace s9  }
0x27: {  	s1 =	sld [smem:$0x3FAF]  }
0x28: {  	s2 =	sld [smem:$0x3FB0]  }
0x29: {  	s4 =	sld [smem:$0x3FB2]  }
0x2a: {  	p0 =	seq.s32 s5, $0x0;
	s5 =	sld [smem:$0x3FB3]  }
0x2b: {  	s6 =	sld [smem:$0x3FB4]  }
0x2c: {  	s7 =	sld [smem:$0x3FB5]  }
0x2d: {  	s3 =	simm.s32 $0x108;
	s8 =	sld [smem:$0x3FB6]  }
0x2e: {  	s3 =	simm.s32 @!p0 $0x1082;
	s9 =	sld [smem:$0x3FB7]  }
0x2f: {  	lr =	sadd.s32 s0, s3;
	s0 =	sld [smem:$0x3FAE]  }
0x30: {  	s3 =	sld [smem:$0x3FB1]  }
0x31: {  	[smem:$0x3FBA] =	sst s10  }
0x32: {  	s10 =	sld [smem:$0x3FB8];
	_ =	sdelay $0x3  }
0x33: {  	p0 =	seq.s32 s10, $0x1;
	s10 =	sld [smem:$0x3FBA];
	_ =	sdelay $0x3  }
0x34: {  	[smem:$0x3FBA] =	sst s10  }
0x35: {  	s10 =	sld [smem:$0x3FB9];
	_ =	sdelay $0x3  }
0x36: {  	p1 =	seq.s32 s10, $0x1;
	s10 =	sld [smem:$0x3FBA];
	_ =	sdelay $0x3  }
0x37: {  	[smem:$0x3FBA] =	sst s10  }
0x38: {  	s10 =	sld [smem:$0x3FBB]  }
0x39: {  	_ = 	snop;
	(pc) =	sbr.ind lr, $3  }
0x3a: {  	_ = 	snop  }
0x3b: {  	_ = 	snop  }
0x3c: {  	p2 =	seq.s32 s10, $0x1;
	s10 =	sld [smem:$0x3FBA]  }
0x3d: {  	_ =	shalt  }
0x3e: {  	_ =	shalt  }
0x3f: {  	_ =	shalt  }
0x40: {  	_ =	shalt  }
0x41: {  	_ =	shalt  }
0x42: {  	_ =	shalt  }
0x43: {  	_ =	shalt  }
0x44: {  	_ =	shalt  }
0x45: {  	_ =	shalt  }
0x46: {  	_ =	shalt  }
0x47: {  	_ =	shalt  }
0x48: {  	_ =	shalt  }
0x49: {  	_ =	shalt  }
0x4a: {  	_ =	shalt  }
0x4b: {  	_ =	shalt  }
0x4c: {  	_ =	shalt  }
0x4d: {  	_ =	shalt  }
0x4e: {  	_ =	shalt  }
0x4f: {  	_ =	shalt  }
0x50: {  	_ =	shalt  }
0x51: {  	_ =	shalt  }
0x52: {  	_ =	shalt  }
0x53: {  	_ =	shalt  }
0x54: {  	_ =	shalt  }
0x55: {  	_ =	shalt  }
0x56: {  	_ =	shalt  }
0x57: {  	_ =	shalt  }
0x58: {  	_ =	shalt  }
0x59: {  	_ =	shalt  }
0x5a: {  	_ =	shalt  }
0x5b: {  	_ =	shalt  }
0x5c: {  	_ =	shalt  }
0x5d: {  	_ =	shalt  }
0x5e: {  	_ =	shalt  }
0x5f: {  	_ =	shalt  }
0x60: {  	_ =	shalt  }
0x61: {  	_ =	shalt  }
0x62: {  	_ =	shalt  }
0x63: {  	_ =	shalt  }
0x64: {  	_ =	shalt  }
0x65: {  	_ =	shalt  }
0x66: {  	_ =	shalt  }
0x67: {  	_ =	shalt  }
0x68: {  	_ =	shalt  }
0x69: {  	_ =	shalt  }
0x6a: {  	_ =	shalt  }
0x6b: {  	_ =	shalt  }
0x6c: {  	_ =	shalt  }
0x6d: {  	_ =	shalt  }
0x6e: {  	_ =	shalt  }
0x6f: {  	_ =	shalt  }
0x70: {  	_ =	shalt  }
0x71: {  	_ =	shalt  }
0x72: {  	_ =	shalt  }
0x73: {  	_ =	shalt  }
0x74: {  	_ =	shalt  }
0x75: {  	_ =	shalt  }
0x76: {  	_ =	shalt  }
0x77: {  	_ =	shalt  }
0x78: {  	_ =	shalt  }
0x79: {  	_ =	shalt  }
0x7a: {  	_ =	shalt  }
0x7b: {  	_ =	shalt  }
0x7c: {  	_ =	shalt  }
0x7d: {  	_ =	shalt  }
0x7e: {  	_ =	shalt  }
0x7f: {  	_ =	shalt  }
0x80: {  	_ =	shalt  }
0x81: {  	_ =	shalt  }
0x82: {  	_ =	shalt  }
0x83: {  	_ =	shalt  }
0x84: {  	_ =	shalt  }
0x85: {  	_ =	shalt  }
0x86: {  	_ =	shalt  }
0x87: {  	_ =	shalt  }
.Lfunc_end0:
.L_simem_size_0:
called_computation_lowered:
.L_overlay_start_0:
0x88: {  	s2 =	sld [smem:$0x3FD9]  }
0x89: {  	s3 =	sld [smem:$0x3FFE];
	_ =	sdelay $0x1  }
0x8a: {  	s1 =	srdreg.scid  }
0x8b: {  	s0 =	sand.u32 $0x1, s1  }
0x8c: {  	s17 =	sshll.u32 s0, $0xA;
	s2 =	sadd.s32 s3, s2  }
0x8d: {  	s2 =	sadd.s32 s2, s17  }
0x8e: {  	[smem:$0x3FC6] =	sst s2  }
0x8f: {  	_ = 	snop  }
0x90: {  	s2 =	sld [smem:$0x3FD0];
	(tm) =	ssettm $0x1  }
0x91: {  	s18 =	sld [smem:$0x3FFB];
	_ =	sdelay $0x3  }
0x92: {  	_ =	strace s18  }
0x93: {  	s3 =	sld [smem:$0x3FFC];
	_ =	sdelay $0x3  }
0x94: {  	_ =	strace s3  }
0x95: {  	s3 =	sld [smem:$0x3FFD];
	_ =	sdelay $0x3  }
0x96: {  	_ =	strace s3  }
0x97: {  	_ =	strace $0x8FFFFFFF  }
0x98: {  	s19 =	sld [smem:$0x3FDB];
	_ =	sdelay $0x1  }
0x99: {  	s4 =	simm.s32 $_scs_section_size  }
0x9a: {  	s5 =	simm.s32 $_size__tile_overlayer_lowered;
	s6 =	simm.s32 $_tile_overlayer_lowered  }
0x9b: {  	s22 =	simm.s32 $0x1BFF;
	s21 =	sshll.u32 s6, $0x1;
	s3 =	sadd.s32 s4, s19  }
0x9c: {  	s7 =	simm.s32 $0x0;
	s20 =	sshll.u32 s5, $0x1;
	s5 =	sadd.s32 s21, s3  }
0x9d: {  	[timem:s7], [sflag:s22] =	dma.local [hbm:s5], s20  }
0x9e: {  	_ =	swait.ge [sflag:s22], s20  }
0x9f: {  	s4 =	ssub.s32 $0x0, s20;
	[sflag:s22] =	ssyncset.done $0x0  }
0xa0: {  	[sflag:s22] =	ssyncadd.s32 s4;
	_ =	sdelay $0x1  }
0xa1: {  	s23 =	simm.s32 $0x1B8B  }
0xa2: {  	_ =	swait.ge [sflag:s23], $0x1  }
0xa3: {  	[sflag:s23] =	ssyncset.done $0x0  }
0xa4: {  	s25 =	simm.s32 $0x1B8E;
	s24 =	sld [smem:$0x3FFE];
	[sflag:s23] =	ssyncadd.s32 $0xFFFFFFFF  }
0xa5: {  	s26 =	simm.s32 $execute0_lowered;
	[smem:$0x3FD2] =	sst s25  }
0xa6: {  	s5 =	sshll.u32 s26, $0x1;
	_ =	strace $0x80000046;
	[dreg:$0x1] =	wrdreg $0xFFFFFFFF  }
0xa7: {  	s28 =	simm.s32 $_size_execute0_lowered;
	s3 =	sadd.s32 s3, s5;
	[dreg:$0x0] =	wrdreg $0x0  }
0xa8: {  	s5 =	sshll.u32 s28, $0x1;
	[dreg:$0x2] =	wrdreg s3  }
0xa9: {  	[dreg:$0x3] =	wrdreg s5  }
0xaa: {  	[dreg:$0x4] =	wrdreg $0xC0  }
0xab: {  	_ =	task [dreg:s7], $0x5FFFF  }
0xac: {  	[dreg:$0x1] =	wrdreg $0xFFFFFFFF  }
0xad: {  	[dreg:$0x0] =	wrdreg $0x60  }
0xae: {  	[dreg:$0x2] =	wrdreg s2  }
0xaf: {  	[dreg:$0x3] =	wrdreg s24  }
0xb0: {  	[dreg:$0x4] =	wrdreg $0x9  }
0xb1: {  	_ =	task.clear_ibuf [dreg:s7], $0x5FFFF;
	_ =	strace $0x90000046  }
0xb2: {  	s29 =	simm.s32 $0x9;
	_ =	strace $0x80000048  }
0xb3: {  	_ =	swait.ge [sflag:s29], $0x1  }
0xb4: {  	[sflag:s29] =	ssyncadd.s32 $0xFFFFFFFF  }
0xb5: {  	_ =	strace $0x90000048  }
0xb6: {  	_ =	sfence  }
0xb7: {  	s30 =	sld [smem:$0x0];
	_ =	sdelay $0x2  }
0xb8: {  	s31 =	sshll.u32 s1, $0xD;
	s1 =	sshrl.u32 s1, $0x2  }
0xb9: {  	s3 =	sand.u32 $0x4000, s31;
	s1 =	sadd.s32 s1, s30  }
0xba: {  	s0 =	sor.u32 s3, s0;
	s1 =	sshll.u32 s1, $0x11  }
0xbb: {  	s0 =	sor.u32 s1, s0  }
0xbc: {  	s0 =	sadd.s32 $0x8F2B, s0  }
0xbd: {  	[sflag:s0] =	ssyncadd.remote.s32 $0x1  }
0xbe: {  	_ =	sfence.sel $0xFFFF  }
0xbf: {  	[dreg:$0x0] =	wrdreg $0xFFFFFFFF;
	(pc) =	sbr.abs _section_cstart, $3  }
0xc0: {  	[dreg:$0x1] =	wrdreg $0xFFFFFFFF  }
0xc1: {  	_ =	task.clear_ibuf [dreg:s7], $0x2FFFF;
	_ =	strace $0x9FFFFFFF  }
0xc2: {  	(tm) =	ssettm $0x7FFFFFFF  }
0xc3: {  	_ =	shalt  }
tec
execute0_lowered:
.L_overlay_start_1:
0x0: {  	(tag) =	ssettag $0x1  }
0x1: {  	s4 =	rddreg [dreg:$0x0];
	s1 =	srdreg.scid  }
0x2: {  	s0 =	stileid.u32;
	s5 =	rddreg [dreg:$0x1]  }
0x3: {  	s2 =	simm.s32 $0x0;
	s15 =	simm.s32 $0x7400;
	s16 =	simm.s32 $0x1  }
0x4: {  	s17 =	simm.s32 $0x3;
	s18 =	simm.s32 $0x100;
	s19 =	simm.s32 $0x2  }
0x5: {  	s20 =	simm.s32 $0x4;
	s21 =	simm.s32 $0x3180;
	s13 =	smul.u32 $0x320000, s0  }
0x6: {  	s22 =	simm.s32 $0x0;
	s8 =	sand.u32 $0x1, s1;
	s30 =	smul.u32 $0x64000, s0  }
0x7: {  	s3 =	sshll.u32 s0, $0x1;
	s1 =	rddreg [dreg:$0x2];
	s28 =	smul.u32 $0x190000, s8  }
0x8: {  	[smem:$0x7FF] =	sst s2;
	s6 =	sor.u32 s8, s3;
	s31 =	smul.u32 $0x32000, s8  }
0x9: {  	s12 =	sadd.s32 $0xC00, s5;
	s10 =	ssub.s32 $0x2, s8;
	s7 =	smul.u32 $0x680, s6  }
0xa: {  	_ =	strace $0x80000047;
	s9 =	smul.u32 $0x190000, s6;
	s25 =	sshrl.u32 s10, $0x1  }
0xb: {  	s3 =	sadd.s32 $0x800, s5;
	s11 =	smul.u32 $0x32000, s6;
	s5 =	ssub.s32 s10, s25  }
0xc: {  	s26 =	sshrl.u32 s9, $0x3;
	s4 =	sadd.s32 s4, s7;
	s5 =	smax.u32 s5, $0x1  }
0xd: {  	s29 =	sadd.s32 s12, s11;
	s9 =	sadd.s32 s28, s13;
	s11 =	sadd.s32 s30, s12  }
0xe: {  	s13 =	simm.s32 $0x80;
	s6 =	sadd.s32 s12, s26;
	s7 =	sadd.s32 $0x800, s29  }
0xf: {  	s9 =	sor.u32 $0x8000, s9;
	s11 =	sadd.s32 s31, s11;
	s8 =	sadd.s32 $0x31000, s6  }
0x10: {  	s14 =	sshrl.u32 s9, $0x3;
	s9 =	sadd.s32 $0x31800, s29;
	s11 =	sadd.s32 $0x1800, s11  }
0x11: {  	s10 =	sadd.s32 s14, s12;
	s12 =	simm.s32 $0x5;
	s14 =	simm.s32 $0x3400  }
.LBB2_1:
0x12: {  	[tilespmem:s2], [sflag:$0x5] =	stream.linear.gather [hbm4b:s4+s2], $0x3200, $0x38;
	[tilespmem:$0xB400] =	vst v63  }
0x13: {  	_ =	swait.ge [sflag:s12], $0x3200  }
0x14: {  	[sflag:s12] =	ssyncset.done $0x0  }
0x15: {  	[sflag:s12] =	ssyncadd.s32 $0xFFFFCE00  }
0x16: {  	[tilespmem:s14], [sflag:$0x1] =	stream.indirect.gather [hbm4b:s3+s13], $0x80, s2, s13, $0xb8;
	[tilespmem:$0xB400] =	vst v63  }
0x17: {  	_ = 	snop  }
0x18: {  	[tilespmem:s15], [sflag:$0x2] =	stream.indirect.gather [hbm4b:s3+s13], $0x80, s13, s13, $0xb8;
	[tilespmem:$0xB400] =	vst v63  }
0x19: {  	_ =	swait.ge [sflag:s16], $0x4000  }
0x1a: {  	[sflag:s16] =	ssyncset.done $0x0  }
0x1b: {  	[sflag:s16] =	ssyncadd.s32 $0xFFFFC000  }
0x1c: {  	[hbm4b:s6+s2] =	stream.linear.scatter [tilespmem:s14], [sflag:$0x3], $0x4000, $0x38;
	[tilespmem:$0xB400] =	vst v63  }
0x1d: {  	_ =	swait.ge [sflag:s17], $0x4000  }
0x1e: {  	[sflag:s17] =	ssyncset.done $0x0  }
0x1f: {  	[sflag:s17] =	ssyncadd.s32 $0xFFFFC000  }
0x20: {  	[tilespmem:s14], [sflag:$0x1] =	stream.indirect.gather [hbm4b:s3+s13], $0x80, s18, s13, $0xb8;
	[tilespmem:$0xB400] =	vst v63  }
0x21: {  	_ =	swait.ge [sflag:s19], $0x4000  }
0x22: {  	[sflag:s19] =	ssyncset.done $0x0  }
0x23: {  	[sflag:s19] =	ssyncadd.s32 $0xFFFFC000  }
0x24: {  	[hbm4b:s7+s2] =	stream.linear.scatter [tilespmem:s15], [sflag:$0x4], $0x4000, $0x38;
	[tilespmem:$0xB400] =	vst v63  }
0x25: {  	_ =	swait.ge [sflag:s20], $0x4000  }
0x26: {  	[sflag:s20] =	ssyncset.done $0x0  }
0x27: {  	s23 =	simm.s32 $0x180;
	[sflag:s20] =	ssyncadd.s32 $0xFFFFC000  }
0x28: {  	[tilespmem:s15], [sflag:$0x2] =	stream.indirect.gather [hbm4b:s3+s13], $0x80, s23, s13, $0xb8;
	[tilespmem:$0xB400] =	vst v63  }
0x29: {  	_ =	swait.ge [sflag:s16], $0x4000  }
0x2a: {  	[sflag:s16] =	ssyncset.done $0x0  }
0x2b: {  	s30 =	sadd.s32 $0x0, s10;
	[sflag:s16] =	ssyncadd.s32 $0xFFFFC000  }
0x2c: {  	[hbm4b:s30+s2] =	stream.linear.scatter [tilespmem:s14], [sflag:$0x3], $0x4000, $0x38;
	[tilespmem:$0xB400] =	vst v63  }
0x2d: {  	_ =	swait.ge [sflag:s17], $0x4000  }
0x2e: {  	[sflag:s17] =	ssyncset.done $0x0  }
0x2f: {  	s31 =	simm.s32 $0x200;
	[sflag:s17] =	ssyncadd.s32 $0xFFFFC000  }
0x30: {  	[tilespmem:s14], [sflag:$0x1] =	stream.indirect.gather [hbm4b:s3+s13], $0x80, s31, s13, $0xb8;
	[tilespmem:$0xB400] =	vst v63  }
0x31: {  	_ =	swait.ge [sflag:s19], $0x4000  }
0x32: {  	s25 =	sadd.s32 $0x0, s11;
	[sflag:s19] =	ssyncset.done $0x0  }
0x33: {  	s24 =	simm.s32 $0x300;
	s23 =	simm.s32 $0x1000;
	[sflag:s19] =	ssyncadd.s32 $0xFFFFC000  }
.LBB2_2:
0x34: {  	[hbm4b:s25+s2] =	stream.linear.scatter [tilespmem:s15], [sflag:$0x4], $0x4000, $0x38;
	[tilespmem:$0xB400] =	vst v63  }
0x35: {  	s25 =	smov.u32 s23  }
0x36: {  	p0 =	sne.s32 s23, $0x2F000;
	s23 =	sadd.s32 $0x1000, s23;
	_ =	swait.ge [sflag:s20], $0x4000  }
0x37: {  	[sflag:s20] =	ssyncset.done $0x0  }
0x38: {  	s26 =	sadd.s32 $0xFFFFFF80, s24;
	[sflag:s20] =	ssyncadd.s32 $0xFFFFC000  }
0x39: {  	[tilespmem:s15], [sflag:$0x2] =	stream.indirect.gather [hbm4b:s3+s13], $0x80, s26, s13, $0xb8;
	[tilespmem:$0xB400] =	vst v63  }
0x3a: {  	_ =	swait.ge [sflag:s16], $0x4000  }
0x3b: {  	[sflag:s16] =	ssyncset.done $0x0  }
0x3c: {  	s26 =	sadd.s32 s25, s10;
	[sflag:s16] =	ssyncadd.s32 $0xFFFFC000  }
0x3d: {  	[hbm4b:s26+s2] =	stream.linear.scatter [tilespmem:s14], [sflag:$0x3], $0x4000, $0x38;
	[tilespmem:$0xB400] =	vst v63  }
0x3e: {  	_ =	swait.ge [sflag:s17], $0x4000  }
0x3f: {  	[sflag:s17] =	ssyncset.done $0x0  }
.Ltmp0:
0x40: {  	[sflag:s17] =	ssyncadd.s32 $0xFFFFC000;
	(pc) =	sbr.rel @p0 .LBB2_2-.Ltmp0, $4  }
0x41: {  	[tilespmem:s14], [sflag:$0x1] =	stream.indirect.gather [hbm4b:s3+s13], $0x80, s24, s13, $0xb8;
	[tilespmem:$0xB400] =	vst v63  }
0x42: {  	_ =	swait.ge [sflag:s19], $0x4000  }
0x43: {  	[sflag:s19] =	ssyncset.done $0x0  }
0x44: {  	s25 =	sadd.s32 s25, s11;
	s24 =	sadd.s32 $0x100, s24;
	[sflag:s19] =	ssyncadd.s32 $0xFFFFC000  }
0x45: {  	[hbm4b:s25+s2] =	stream.linear.scatter [tilespmem:s15], [sflag:$0x4], $0x4000, $0x38;
	[tilespmem:$0xB400] =	vst v63  }
0x46: {  	_ =	swait.ge [sflag:s20], $0x4000  }
0x47: {  	[sflag:s20] =	ssyncset.done $0x0  }
0x48: {  	[sflag:s20] =	ssyncadd.s32 $0xFFFFC000  }
0x49: {  	[tilespmem:s15], [sflag:$0x2] =	stream.indirect.gather [hbm4b:s3+s13], $0x80, s21, s13, $0xb8;
	[tilespmem:$0xB400] =	vst v63  }
0x4a: {  	_ =	swait.ge [sflag:s16], $0x4000  }
0x4b: {  	[sflag:s16] =	ssyncset.done $0x0  }
0x4c: {  	[sflag:s16] =	ssyncadd.s32 $0xFFFFC000  }
0x4d: {  	[hbm4b:s8+s2] =	stream.linear.scatter [tilespmem:s14], [sflag:$0x3], $0x4000, $0x38;
	[tilespmem:$0xB400] =	vst v63  }
0x4e: {  	_ =	swait.ge [sflag:s17], $0x4000  }
0x4f: {  	[sflag:s17] =	ssyncset.done $0x0  }
0x50: {  	[sflag:s17] =	ssyncadd.s32 $0xFFFFC000  }
0x51: {  	s22 =	sadd.s32 $0x1, s22;
	_ =	swait.ge [sflag:s19], $0x4000  }
0x52: {  	p0 =	sne.s32 s22, s5;
	[sflag:s19] =	ssyncset.done $0x0  }
.Ltmp1:
0x53: {  	[sflag:s19] =	ssyncadd.s32 $0xFFFFC000;
	(pc) =	sbr.rel @p0 .LBB2_1-.Ltmp1, $4  }
0x54: {  	[hbm4b:s9+s2] =	stream.linear.scatter [tilespmem:s15], [sflag:$0x4], $0x4000, $0x38;
	[tilespmem:$0xB400] =	vst v63  }
0x55: {  	_ =	swait.ge [sflag:s20], $0x4000  }
0x56: {  	[sflag:s20] =	ssyncset.done $0x0  }
0x57: {  	[sflag:s20] =	ssyncadd.s32 $0xFFFFC000  }
0x58: {  	_ =	sfence.sel $0x180000  }
0x59: {  	[bflag:$0x0] =	sbarrier.arrive $0xFFFF  }
0x5a: {  	p0 =	sne.s32 s0, $0x0;
	_ =	strace $0x90000047  }
0x5b: {  	s0 =	sadd.s32 @!p0 $0x100000, s1;
	[bflag:$0x2] =	sbarrier.arrive $0xFFFF  }
0x5c: {  	[sflag:s0] =	ssyncadd.tile.s32 @!p0 $0x1;
	_ =	shalt  }
.Lfunc_end2:
_tile_overlayer_lowered:
.L_overlay_start_2:
0x5d: {  	(tag) =	ssettag $0x2  }
0x5e: {  	s0 =	rddreg [dreg:$0x0];
	s2 =	stileid.u32  }
0x5f: {  	s1 =	rddreg [dreg:$0x1];
	p0 =	sne.s32 s2, $0x0  }
0x60: {  	s3 =	rddreg [dreg:$0x2];
	[bflag:$0x3] =	sbarrier.arrive $0xFFFF;
	s2 =	simm.s32 @!p0 $0x1C05  }
0x61: {  	[timem:s3], [sflag:s2] =	dma.local @!p0 [hbm:s0], s1  }
0x62: {  	s0 =	simm.s32 @!p0 $0x5  }
0x63: {  	_ =	swait.ge @!p0 [sflag:s0], s1  }
0x64: {  	s1 =	ssub.s32 @!p0 $0x0, s1;
	[sflag:s0] =	ssyncset.done @!p0 $0x0  }
0x65: {  	[sflag:s0] =	ssyncadd.s32 @!p0 s1  }
0x66: {  	[bflag:$0x3] =	sbarrier.arrive $0xFFFF  }
0x67: {  	_ =	shalt  }

</sc_bundles>
